<compile_context>
chip_gen: v7x
topology: tpu7x:2x2x1
jax: 0.10.2.dev20260603
libtpu: 0.0.44.dev20260713+nightly
codegen_flags: <defaults>
</compile_context>

<pallas_src>
import jax
import jax.numpy as jnp
from jax import lax
from jax.experimental import pallas as pl
from jax.experimental.pallas import tpu as pltpu
from jax.experimental.pallas import tpu_sc as plsc

_NC = 2
_NS = 16
_NW = _NC * _NS
_R = 160
_D = 128


def _sc_body(nodes_hbm, pooled_hbm, maskf_hbm, lockedf_hbm, out_hbm,
             nbuf, pbuf, obuf, kbuf, mbuf0, mbuf1, lbuf0, lbuf1,
             in_sem, out_sem):
    nrows = nodes_hbm.shape[0]
    nchunks = nrows // _R
    wid = lax.axis_index("s") * _NC + lax.axis_index("c")
    ntrips = (nchunks - wid + _NW - 1) // _NW

    def issue_in(t):
        base = (wid + t * _NW) * _R
        p = lax.rem(t, 2)
        pltpu.async_copy(nodes_hbm.at[pl.ds(base, _R)], nbuf.at[p], in_sem)
        pltpu.async_copy(pooled_hbm.at[pl.ds(base, _R)], pbuf.at[p], in_sem)

        @pl.when(p == 0)
        def _():
            pltpu.async_copy(maskf_hbm.at[pl.ds(base, _R)], mbuf0, in_sem)
            pltpu.async_copy(lockedf_hbm.at[pl.ds(base, _R)], lbuf0, in_sem)

        @pl.when(p == 1)
        def _():
            pltpu.async_copy(maskf_hbm.at[pl.ds(base, _R)], mbuf1, in_sem)
            pltpu.async_copy(lockedf_hbm.at[pl.ds(base, _R)], lbuf1, in_sem)

    issue_in(0)

    def do_trip(t, _):
        base = (wid + t * _NW) * _R
        p = lax.rem(t, 2)
        pltpu.make_async_copy(nodes_hbm.at[pl.ds(base, _R)], nbuf.at[p], in_sem).wait()
        pltpu.make_async_copy(pooled_hbm.at[pl.ds(base, _R)], pbuf.at[p], in_sem).wait()
        pltpu.make_async_copy(maskf_hbm.at[pl.ds(base, _R)], mbuf0, in_sem).wait()
        pltpu.make_async_copy(lockedf_hbm.at[pl.ds(base, _R)], lbuf0, in_sem).wait()

        @pl.when(t >= 1)
        def _():
            pltpu.make_async_copy(nbuf.at[1 - p], out_hbm.at[pl.ds(0, _R)], out_sem).wait()

        @pl.when(t + 1 < ntrips)
        def _():
            issue_in(t + 1)

        pltpu.async_copy(nbuf.at[p], out_hbm.at[pl.ds(base, _R)], out_sem)
        return 0

    lax.fori_loop(0, ntrips, do_trip, 0)
    pltpu.make_async_copy(nbuf.at[0], out_hbm.at[pl.ds(0, _R)], out_sem).wait()


def kernel(nodes, mask, pooled_edges, locked_nodes):
    B, N, D = nodes.shape
    rows = B * N
    nodes2 = nodes.reshape(rows, D)
    pooled2 = pooled_edges.reshape(rows, D)
    maskf = mask.astype(jnp.float32).reshape(rows)
    lockedf = locked_nodes.astype(jnp.float32).reshape(rows)
    mesh = plsc.VectorSubcoreMesh(core_axis_name="c", subcore_axis_name="s")
    out2 = pl.kernel(
        _sc_body,
        out_type=jax.ShapeDtypeStruct((rows, D), jnp.float32),
        mesh=mesh,
        scratch_types=[
            pltpu.VMEM((2, _R, _D), jnp.float32),
            pltpu.VMEM((2, _R, _D), jnp.float32),
            pltpu.VMEM((2, _R, _D), jnp.float32),
            pltpu.VMEM((_R,), jnp.float32),
            pltpu.VMEM((_R,), jnp.float32),
            pltpu.VMEM((_R,), jnp.float32),
            pltpu.VMEM((_R,), jnp.float32),
            pltpu.VMEM((_R,), jnp.float32),
            pltpu.SemaphoreType.DMA,
            pltpu.SemaphoreType.DMA,
        ],
    )(nodes2, pooled2, maskf, lockedf)
    return out2.reshape(B, N, D)

# --- scband reference (transcript-rebuilt; emitter-appended) ---
"""Pipeline reference for scband-node-block-5076651344273 (READ-ONLY COPY).

The authoritative reference and input builder live on the scoring server;
editing this copy changes nothing except your own understanding.
"""

import jax, jax.numpy as jnp
import numpy as np

# NodeBlock configured with use_net=False, rsdl_type='add',
# inpt_dim=[16, 128, 0, 0], pooled_edge_dim=128.
# Since node dim (128) == pooled_edge_dim (128), no rsdl_lin layer is created
# and the forward reduces to: masks -> additive residual -> lock restore.
# GraphBatch is represented by its fields: nodes, mask (globs/cndts are empty).

def setup_inputs(seed: int = 0) -> dict:
    key = jax.random.key(seed)
    k1, k2 = jax.random.split(key, 2)
    B, N, D = 250, 400, 128
    nodes = jax.random.normal(k1, (B, N, D), dtype=jnp.float32)
    pooled_edges = jax.random.normal(k2, (B, N, D), dtype=jnp.float32)
    mask = jnp.ones((B, N), dtype=bool)
    locked_nodes = jnp.zeros((B, N), dtype=bool)
    return {"nodes": nodes, "mask": mask, "pooled_edges": pooled_edges, "locked_nodes": locked_nodes}


def reference(nodes, mask, pooled_edges, locked_nodes):
    # lock/free masks (locked_nodes provided, so take the masked branch)
    lock_mask = mask & locked_nodes
    free_mask = mask & (~locked_nodes)
    # use_net is False -> skip dense network
    # do_rsdl (rsdl_type='add'), dims equal -> no rsdl_lin, rsdl = graph.nodes
    rsdl = nodes
    out = pooled_edges + rsdl  # apply_residual('add', rsdl, pooled_edges)
    # pooled_edges[lock_mask] = graph.nodes[lock_mask]
    out = jnp.where(lock_mask[..., None], nodes, out)
    return out

if __name__ == "__main__":
    import jax
    _d = setup_inputs()
    print(jax.jit(kernel)(*tuple(_d.values())))

</pallas_src>

<mosaic_0001>
#map = affine_map<(d0, d1) -> (0, 0)>
#map1 = affine_map<(d0, d1) -> (0)>
module attributes {stable_mosaic.version = 14 : i64} {
  func.func @_sc_body(%arg0: i32, %arg1: i32, %arg2: memref<100000x128xf32, #tpu.memory_space<hbm>>, %arg3: memref<100000x128xf32, #tpu.memory_space<hbm>>, %arg4: memref<100000xf32, #tpu.memory_space<hbm>>, %arg5: memref<100000xf32, #tpu.memory_space<hbm>>, %arg6: memref<100000x128xf32, #tpu.memory_space<hbm>>, %arg7: memref<2x160x128xf32, #tpu.memory_space<vmem>>, %arg8: memref<2x160x128xf32, #tpu.memory_space<vmem>>, %arg9: memref<2x160x128xf32, #tpu.memory_space<vmem>>, %arg10: memref<160xf32, #tpu.memory_space<vmem>>, %arg11: memref<160xf32, #tpu.memory_space<vmem>>, %arg12: memref<160xf32, #tpu.memory_space<vmem>>, %arg13: memref<160xf32, #tpu.memory_space<vmem>>, %arg14: memref<160xf32, #tpu.memory_space<vmem>>, %arg15: memref<!tpu.dma_semaphore, #tpu.memory_space<semaphore_mem>>, %arg16: memref<!tpu.dma_semaphore, #tpu.memory_space<semaphore_mem>>) attributes {dimension_semantics = [#tpu.dimension_semantics<core_parallel>, #tpu.dimension_semantics<subcore_parallel>], iteration_bounds = array<i64: 2, 16>, scalar_prefetch = 0 : i64, scratch_operands = 10 : i64, tpu.core_type = #tpu.core_type<sc_vector_subcore>, window_params = [{transform_indices = #map}, {transform_indices = #map}, {transform_indices = #map1}, {transform_indices = #map1}, {transform_indices = #map}]} {
    %mul3A = arith.constant 2 : i32
    %mul3A_0 = arith.muli %arg1, %mul3A : i32
    %add3A = arith.addi %mul3A_0, %arg0 : i32
    %sub3A = arith.constant 625 : i32
    %sub3A_1 = arith.subi %sub3A, %add3A : i32
    %add3A_2 = arith.constant 32 : i32
    %add3A_3 = arith.addi %sub3A_1, %add3A_2 : i32
    %sub3A_4 = arith.constant 1 : i32
    %sub3A_5 = arith.subi %add3A_3, %sub3A_4 : i32
    %jit3A = arith.constant 32 : i32
    %div3A = arith.divsi %sub3A_5, %jit3A : i32
    %sign3A = arith.constant 0 : i32
    %sign3A_6 = arith.cmpi sgt, %sub3A_5, %sign3A : i32
    %sign3A_7 = arith.extui %sign3A_6 : i1 to i32
    %sign3A_8 = arith.constant 0 : i32
    %sign3A_9 = arith.cmpi slt, %sub3A_5, %sign3A_8 : i32
    %sign3A_10 = arith.extui %sign3A_9 : i1 to i32
    %sign3A_11 = arith.subi %sign3A_7, %sign3A_10 : i32
    %sign3A_12 = arith.constant 0 : i32
    %sign3A_13 = arith.cmpi sgt, %jit3A, %sign3A_12 : i32
    %sign3A_14 = arith.extui %sign3A_13 : i1 to i32
    %sign3A_15 = arith.constant 0 : i32
    %sign3A_16 = arith.cmpi slt, %jit3A, %sign3A_15 : i32
    %sign3A_17 = arith.extui %sign3A_16 : i1 to i32
    %sign3A_18 = arith.subi %sign3A_14, %sign3A_17 : i32
    %ne3A = arith.cmpi ne, %sign3A_11, %sign3A_18 : i32
    %rem3A = arith.remsi %sub3A_5, %jit3A : i32
    %ne3A_19 = arith.constant 0 : i32
    %ne3A_20 = arith.cmpi ne, %rem3A, %ne3A_19 : i32
    %and3A = arith.andi %ne3A, %ne3A_20 : i1
    %sub3A_21 = arith.constant 1 : i32
    %sub3A_22 = arith.subi %div3A, %sub3A_21 : i32
    %select_n3A = arith.select %and3A, %sub3A_22, %div3A : i32
    %add3A_23 = arith.constant 0 : i32
    %add3A_24 = arith.addi %add3A, %add3A_23 : i32
    %mul3A_25 = arith.constant 160 : i32
    %mul3A_26 = arith.muli %add3A_24, %mul3A_25 : i32
    %rem3A_27 = arith.constant 0 : i32
    %rem3A_28 = arith.constant 2 : i32
    %rem3A_29 = arith.remsi %rem3A_27, %rem3A_28 : i32
    %dma_start3A = arith.constant 0 : i32
    %dma_start3A_30 = arith.constant 0 : i32
    %dma_start3A_31 = tpu.memref_slice %arg7[%rem3A_29, %dma_start3A, %dma_start3A_30] : memref<2x160x128xf32, #tpu.memory_space<vmem>> -> memref<1x160x128xf32, #tpu.memory_space<vmem>>
    %dma_start3A_32 = tpu.memref_squeeze %dma_start3A_31 : memref<1x160x128xf32, #tpu.memory_space<vmem>> -> memref<160x128xf32, #tpu.memory_space<vmem>>
    %dma_start3A_33 = arith.constant 0 : i32
    %dma_start3A_34 = tpu.memref_slice %arg2[%mul3A_26, %dma_start3A_33] : memref<100000x128xf32, #tpu.memory_space<hbm>> -> memref<160x128xf32, #tpu.memory_space<hbm>>
    %dma_start3A_35 = arith.constant 0 : i32
    %dma_start3A_36 = arith.constant 0 : i32
    %dma_start3A_37 = tpu.memref_slice %arg7[%rem3A_29, %dma_start3A_35, %dma_start3A_36] : memref<2x160x128xf32, #tpu.memory_space<vmem>> -> memref<1x160x128xf32, #tpu.memory_space<vmem>>
    %dma_start3A_38 = tpu.memref_squeeze %dma_start3A_37 : memref<1x160x128xf32, #tpu.memory_space<vmem>> -> memref<160x128xf32, #tpu.memory_space<vmem>>
    %dma_start3A_39 = arith.constant 0 : i32
    %dma_start3A_40 = tpu.memref_slice %arg2[%mul3A_26, %dma_start3A_39] : memref<100000x128xf32, #tpu.memory_space<hbm>> -> memref<160x128xf32, #tpu.memory_space<hbm>>
    tpu.enqueue_dma source(%dma_start3A_40 : memref<160x128xf32, #tpu.memory_space<hbm>>) target(%dma_start3A_38 : memref<160x128xf32, #tpu.memory_space<vmem>>) target_semaphore(%arg15 : memref<!tpu.dma_semaphore, #tpu.memory_space<semaphore_mem>>)
    %dma_start3A_41 = arith.constant 0 : i32
    %dma_start3A_42 = arith.constant 0 : i32
    %dma_start3A_43 = tpu.memref_slice %arg8[%rem3A_29, %dma_start3A_41, %dma_start3A_42] : memref<2x160x128xf32, #tpu.memory_space<vmem>> -> memref<1x160x128xf32, #tpu.memory_space<vmem>>
    %dma_start3A_44 = tpu.memref_squeeze %dma_start3A_43 : memref<1x160x128xf32, #tpu.memory_space<vmem>> -> memref<160x128xf32, #tpu.memory_space<vmem>>
    %dma_start3A_45 = arith.constant 0 : i32
    %dma_start3A_46 = tpu.memref_slice %arg3[%mul3A_26, %dma_start3A_45] : memref<100000x128xf32, #tpu.memory_space<hbm>> -> memref<160x128xf32, #tpu.memory_space<hbm>>
    %dma_start3A_47 = arith.constant 0 : i32
    %dma_start3A_48 = arith.constant 0 : i32
    %dma_start3A_49 = tpu.memref_slice %arg8[%rem3A_29, %dma_start3A_47, %dma_start3A_48] : memref<2x160x128xf32, #tpu.memory_space<vmem>> -> memref<1x160x128xf32, #tpu.memory_space<vmem>>
    %dma_start3A_50 = tpu.memref_squeeze %dma_start3A_49 : memref<1x160x128xf32, #tpu.memory_space<vmem>> -> memref<160x128xf32, #tpu.memory_space<vmem>>
    %dma_start3A_51 = arith.constant 0 : i32
    %dma_start3A_52 = tpu.memref_slice %arg3[%mul3A_26, %dma_start3A_51] : memref<100000x128xf32, #tpu.memory_space<hbm>> -> memref<160x128xf32, #tpu.memory_space<hbm>>
    tpu.enqueue_dma source(%dma_start3A_52 : memref<160x128xf32, #tpu.memory_space<hbm>>) target(%dma_start3A_50 : memref<160x128xf32, #tpu.memory_space<vmem>>) target_semaphore(%arg15 : memref<!tpu.dma_semaphore, #tpu.memory_space<semaphore_mem>>)
    %eq3A = arith.constant 0 : i32
    %eq3A_53 = arith.cmpi eq, %rem3A_29, %eq3A : i32
    %convert_element_type3A = arith.extui %eq3A_53 : i1 to i32
    %cond3A = arith.constant 0 : i32
    %cond3A_54 = arith.cmpi ne, %convert_element_type3A, %cond3A : i32
    scf.if %cond3A_54 {
      %dma_start3A_85 = tpu.memref_slice %arg4[%mul3A_26] : memref<100000xf32, #tpu.memory_space<hbm>> -> memref<160xf32, #tpu.memory_space<hbm>>
      %dma_start3A_86 = tpu.memref_slice %arg4[%mul3A_26] : memref<100000xf32, #tpu.memory_space<hbm>> -> memref<160xf32, #tpu.memory_space<hbm>>
      tpu.enqueue_dma source(%dma_start3A_86 : memref<160xf32, #tpu.memory_space<hbm>>) target(%arg11 : memref<160xf32, #tpu.memory_space<vmem>>) target_semaphore(%arg15 : memref<!tpu.dma_semaphore, #tpu.memory_space<semaphore_mem>>)
      %dma_start3A_87 = tpu.memref_slice %arg5[%mul3A_26] : memref<100000xf32, #tpu.memory_space<hbm>> -> memref<160xf32, #tpu.memory_space<hbm>>
      %dma_start3A_88 = tpu.memref_slice %arg5[%mul3A_26] : memref<100000xf32, #tpu.memory_space<hbm>> -> memref<160xf32, #tpu.memory_space<hbm>>
      tpu.enqueue_dma source(%dma_start3A_88 : memref<160xf32, #tpu.memory_space<hbm>>) target(%arg13 : memref<160xf32, #tpu.memory_space<vmem>>) target_semaphore(%arg15 : memref<!tpu.dma_semaphore, #tpu.memory_space<semaphore_mem>>)
    } else {
    }
    %eq3A_55 = arith.constant 1 : i32
    %eq3A_56 = arith.cmpi eq, %rem3A_29, %eq3A_55 : i32
    %convert_element_type3A_57 = arith.extui %eq3A_56 : i1 to i32
    %cond3A_58 = arith.constant 0 : i32
    %cond3A_59 = arith.cmpi ne, %convert_element_type3A_57, %cond3A_58 : i32
    scf.if %cond3A_59 {
      %dma_start3A_85 = tpu.memref_slice %arg4[%mul3A_26] : memref<100000xf32, #tpu.memory_space<hbm>> -> memref<160xf32, #tpu.memory_space<hbm>>
      %dma_start3A_86 = tpu.memref_slice %arg4[%mul3A_26] : memref<100000xf32, #tpu.memory_space<hbm>> -> memref<160xf32, #tpu.memory_space<hbm>>
      tpu.enqueue_dma source(%dma_start3A_86 : memref<160xf32, #tpu.memory_space<hbm>>) target(%arg12 : memref<160xf32, #tpu.memory_space<vmem>>) target_semaphore(%arg15 : memref<!tpu.dma_semaphore, #tpu.memory_space<semaphore_mem>>)
      %dma_start3A_87 = tpu.memref_slice %arg5[%mul3A_26] : memref<100000xf32, #tpu.memory_space<hbm>> -> memref<160xf32, #tpu.memory_space<hbm>>
      %dma_start3A_88 = tpu.memref_slice %arg5[%mul3A_26] : memref<100000xf32, #tpu.memory_space<hbm>> -> memref<160xf32, #tpu.memory_space<hbm>>
      tpu.enqueue_dma source(%dma_start3A_88 : memref<160xf32, #tpu.memory_space<hbm>>) target(%arg14 : memref<160xf32, #tpu.memory_space<vmem>>) target_semaphore(%arg15 : memref<!tpu.dma_semaphore, #tpu.memory_space<semaphore_mem>>)
    } else {
    }
    %while3A = arith.constant 0 : i32
    %while3A_60 = arith.constant 0 : i32
    %while3A_61 = arith.subi %select_n3A, %while3A : i32
    %while3A_62 = arith.addi %while3A, %while3A_61 : i32
    %while3A_63 = arith.constant 1 : i32
    %while3A_64 = arith.divsi %while3A_61, %while3A_63 : i32
    %while3A_65 = arith.muli %while3A_64, %while3A_63 : i32
    %while3A_66 = arith.addi %while3A, %while3A_65 : i32
    %while3A_67 = arith.constant 1 : i32
    %while3A_68 = scf.for %while3A_85 = %while3A to %while3A_66 step %while3A_67 iter_args(%while3A_86 = %while3A_60) -> (i32)  : i32 {
      %mul3A_87 = arith.constant 32 : i32
      %mul3A_88 = arith.muli %while3A_85, %mul3A_87 : i32
      %add3A_89 = arith.addi %add3A, %mul3A_88 : i32
      %mul3A_90 = arith.constant 160 : i32
      %mul3A_91 = arith.muli %add3A_89, %mul3A_90 : i32
      %rem3A_92 = arith.constant 2 : i32
      %rem3A_93 = arith.remsi %while3A_85, %rem3A_92 : i32
      %dma_wait3A_94 = arith.constant 0 : i32
      %dma_wait3A_95 = arith.constant 0 : i32
      %dma_wait3A_96 = tpu.memref_slice %arg7[%rem3A_93, %dma_wait3A_94, %dma_wait3A_95] : memref<2x160x128xf32, #tpu.memory_space<vmem>> -> memref<1x160x128xf32, #tpu.memory_space<vmem>>
      %dma_wait3A_97 = tpu.memref_squeeze %dma_wait3A_96 : memref<1x160x128xf32, #tpu.memory_space<vmem>> -> memref<160x128xf32, #tpu.memory_space<vmem>>
      %dma_wait3A_98 = arith.constant 0 : i32
      %dma_wait3A_99 = tpu.memref_slice %arg2[%mul3A_91, %dma_wait3A_98] : memref<100000x128xf32, #tpu.memory_space<hbm>> -> memref<160x128xf32, #tpu.memory_space<hbm>>
      %dma_wait3A_100 = arith.constant 0 : i32
      %dma_wait3A_101 = arith.constant 0 : i32
      %dma_wait3A_102 = tpu.memref_slice %arg7[%rem3A_93, %dma_wait3A_100, %dma_wait3A_101] : memref<2x160x128xf32, #tpu.memory_space<vmem>> -> memref<1x160x128xf32, #tpu.memory_space<vmem>>
      %dma_wait3A_103 = tpu.memref_squeeze %dma_wait3A_102 : memref<1x160x128xf32, #tpu.memory_space<vmem>> -> memref<160x128xf32, #tpu.memory_space<vmem>>
      %dma_wait3A_104 = arith.constant 0 : i32
      %dma_wait3A_105 = tpu.memref_slice %arg2[%mul3A_91, %dma_wait3A_104] : memref<100000x128xf32, #tpu.memory_space<hbm>> -> memref<160x128xf32, #tpu.memory_space<hbm>>
      tpu.wait_dma2 semaphore(%arg15 : memref<!tpu.dma_semaphore, #tpu.memory_space<semaphore_mem>>) src(%dma_wait3A_105 : memref<160x128xf32, #tpu.memory_space<hbm>>) dst(%dma_wait3A_103 : memref<160x128xf32, #tpu.memory_space<vmem>>)
      %dma_wait3A_106 = arith.constant 0 : i32
      %dma_wait3A_107 = arith.constant 0 : i32
      %dma_wait3A_108 = tpu.memref_slice %arg8[%rem3A_93, %dma_wait3A_106, %dma_wait3A_107] : memref<2x160x128xf32, #tpu.memory_space<vmem>> -> memref<1x160x128xf32, #tpu.memory_space<vmem>>
      %dma_wait3A_109 = tpu.memref_squeeze %dma_wait3A_108 : memref<1x160x128xf32, #tpu.memory_space<vmem>> -> memref<160x128xf32, #tpu.memory_space<vmem>>
      %dma_wait3A_110 = arith.constant 0 : i32
      %dma_wait3A_111 = tpu.memref_slice %arg3[%mul3A_91, %dma_wait3A_110] : memref<100000x128xf32, #tpu.memory_space<hbm>> -> memref<160x128xf32, #tpu.memory_space<hbm>>
      %dma_wait3A_112 = arith.constant 0 : i32
      %dma_wait3A_113 = arith.constant 0 : i32
      %dma_wait3A_114 = tpu.memref_slice %arg8[%rem3A_93, %dma_wait3A_112, %dma_wait3A_113] : memref<2x160x128xf32, #tpu.memory_space<vmem>> -> memref<1x160x128xf32, #tpu.memory_space<vmem>>
      %dma_wait3A_115 = tpu.memref_squeeze %dma_wait3A_114 : memref<1x160x128xf32, #tpu.memory_space<vmem>> -> memref<160x128xf32, #tpu.memory_space<vmem>>
      %dma_wait3A_116 = arith.constant 0 : i32
      %dma_wait3A_117 = tpu.memref_slice %arg3[%mul3A_91, %dma_wait3A_116] : memref<100000x128xf32, #tpu.memory_space<hbm>> -> memref<160x128xf32, #tpu.memory_space<hbm>>
      tpu.wait_dma2 semaphore(%arg15 : memref<!tpu.dma_semaphore, #tpu.memory_space<semaphore_mem>>) src(%dma_wait3A_117 : memref<160x128xf32, #tpu.memory_space<hbm>>) dst(%dma_wait3A_115 : memref<160x128xf32, #tpu.memory_space<vmem>>)
      %dma_wait3A_118 = tpu.memref_slice %arg4[%mul3A_91] : memref<100000xf32, #tpu.memory_space<hbm>> -> memref<160xf32, #tpu.memory_space<hbm>>
      %dma_wait3A_119 = tpu.memref_slice %arg4[%mul3A_91] : memref<100000xf32, #tpu.memory_space<hbm>> -> memref<160xf32, #tpu.memory_space<hbm>>
      tpu.wait_dma2 semaphore(%arg15 : memref<!tpu.dma_semaphore, #tpu.memory_space<semaphore_mem>>) src(%dma_wait3A_119 : memref<160xf32, #tpu.memory_space<hbm>>) dst(%arg11 : memref<160xf32, #tpu.memory_space<vmem>>)
      %dma_wait3A_120 = tpu.memref_slice %arg5[%mul3A_91] : memref<100000xf32, #tpu.memory_space<hbm>> -> memref<160xf32, #tpu.memory_space<hbm>>
      %dma_wait3A_121 = tpu.memref_slice %arg5[%mul3A_91] : memref<100000xf32, #tpu.memory_space<hbm>> -> memref<160xf32, #tpu.memory_space<hbm>>
      tpu.wait_dma2 semaphore(%arg15 : memref<!tpu.dma_semaphore, #tpu.memory_space<semaphore_mem>>) src(%dma_wait3A_121 : memref<160xf32, #tpu.memory_space<hbm>>) dst(%arg13 : memref<160xf32, #tpu.memory_space<vmem>>)
      %ge3A = arith.constant 1 : i32
      %ge3A_122 = arith.cmpi sge, %while3A_85, %ge3A : i32
      %convert_element_type3A_123 = arith.extui %ge3A_122 : i1 to i32
      %cond3A_124 = arith.constant 0 : i32
      %cond3A_125 = arith.cmpi ne, %convert_element_type3A_123, %cond3A_124 : i32
      scf.if %cond3A_125 {
        %sub3A_144 = arith.constant 1 : i32
        %sub3A_145 = arith.subi %sub3A_144, %rem3A_93 : i32
        %dma_wait3A_146 = arith.constant 0 : i32
        %dma_wait3A_147 = arith.constant 0 : i32
        %dma_wait3A_148 = tpu.memref_slice %arg7[%sub3A_145, %dma_wait3A_146, %dma_wait3A_147] : memref<2x160x128xf32, #tpu.memory_space<vmem>> -> memref<1x160x128xf32, #tpu.memory_space<vmem>>
        %dma_wait3A_149 = tpu.memref_squeeze %dma_wait3A_148 : memref<1x160x128xf32, #tpu.memory_space<vmem>> -> memref<160x128xf32, #tpu.memory_space<vmem>>
        %dma_wait3A_150 = arith.constant 0 : i32
        %dma_wait3A_151 = arith.constant 0 : i32
        %dma_wait3A_152 = tpu.memref_slice %arg6[%dma_wait3A_150, %dma_wait3A_151] : memref<100000x128xf32, #tpu.memory_space<hbm>> -> memref<160x128xf32, #tpu.memory_space<hbm>>
        %dma_wait3A_153 = arith.constant 0 : i32
        %dma_wait3A_154 = arith.constant 0 : i32
        %dma_wait3A_155 = tpu.memref_slice %arg6[%dma_wait3A_153, %dma_wait3A_154] : memref<100000x128xf32, #tpu.memory_space<hbm>> -> memref<160x128xf32, #tpu.memory_space<hbm>>
        %dma_wait3A_156 = arith.constant 0 : i32
        %dma_wait3A_157 = arith.constant 0 : i32
        %dma_wait3A_158 = tpu.memref_slice %arg7[%sub3A_145, %dma_wait3A_156, %dma_wait3A_157] : memref<2x160x128xf32, #tpu.memory_space<vmem>> -> memref<1x160x128xf32, #tpu.memory_space<vmem>>
        %dma_wait3A_159 = tpu.memref_squeeze %dma_wait3A_158 : memref<1x160x128xf32, #tpu.memory_space<vmem>> -> memref<160x128xf32, #tpu.memory_space<vmem>>
        tpu.wait_dma2 semaphore(%arg16 : memref<!tpu.dma_semaphore, #tpu.memory_space<semaphore_mem>>) src(%dma_wait3A_159 : memref<160x128xf32, #tpu.memory_space<vmem>>) dst(%dma_wait3A_155 : memref<160x128xf32, #tpu.memory_space<hbm>>)
      } else {
      }
      %add3A_126 = arith.constant 1 : i32
      %add3A_127 = arith.addi %while3A_85, %add3A_126 : i32
      %lt3A = arith.cmpi slt, %add3A_127, %select_n3A : i32
      %convert_element_type3A_128 = arith.extui %lt3A : i1 to i32
      %cond3A_129 = arith.constant 0 : i32
      %cond3A_130 = arith.cmpi ne, %convert_element_type3A_128, %cond3A_129 : i32
      scf.if %cond3A_130 {
        %add3A_144 = arith.constant 1 : i32
        %add3A_145 = arith.addi %while3A_85, %add3A_144 : i32
        %mul3A_146 = arith.constant 32 : i32
        %mul3A_147 = arith.muli %add3A_145, %mul3A_146 : i32
        %add3A_148 = arith.addi %add3A, %mul3A_147 : i32
        %mul3A_149 = arith.constant 160 : i32
        %mul3A_150 = arith.muli %add3A_148, %mul3A_149 : i32
        %rem3A_151 = arith.constant 2 : i32
        %rem3A_152 = arith.remsi %add3A_145, %rem3A_151 : i32
        %dma_start3A_153 = arith.constant 0 : i32
        %dma_start3A_154 = arith.constant 0 : i32
        %dma_start3A_155 = tpu.memref_slice %arg7[%rem3A_152, %dma_start3A_153, %dma_start3A_154] : memref<2x160x128xf32, #tpu.memory_space<vmem>> -> memref<1x160x128xf32, #tpu.memory_space<vmem>>
        %dma_start3A_156 = tpu.memref_squeeze %dma_start3A_155 : memref<1x160x128xf32, #tpu.memory_space<vmem>> -> memref<160x128xf32, #tpu.memory_space<vmem>>
        %dma_start3A_157 = arith.constant 0 : i32
        %dma_start3A_158 = tpu.memref_slice %arg2[%mul3A_150, %dma_start3A_157] : memref<100000x128xf32, #tpu.memory_space<hbm>> -> memref<160x128xf32, #tpu.memory_space<hbm>>
        %dma_start3A_159 = arith.constant 0 : i32
        %dma_start3A_160 = arith.constant 0 : i32
        %dma_start3A_161 = tpu.memref_slice %arg7[%rem3A_152, %dma_start3A_159, %dma_start3A_160] : memref<2x160x128xf32, #tpu.memory_space<vmem>> -> memref<1x160x128xf32, #tpu.memory_space<vmem>>
        %dma_start3A_162 = tpu.memref_squeeze %dma_start3A_161 : memref<1x160x128xf32, #tpu.memory_space<vmem>> -> memref<160x128xf32, #tpu.memory_space<vmem>>
        %dma_start3A_163 = arith.constant 0 : i32
        %dma_start3A_164 = tpu.memref_slice %arg2[%mul3A_150, %dma_start3A_163] : memref<100000x128xf32, #tpu.memory_space<hbm>> -> memref<160x128xf32, #tpu.memory_space<hbm>>
        tpu.enqueue_dma source(%dma_start3A_164 : memref<160x128xf32, #tpu.memory_space<hbm>>) target(%dma_start3A_162 : memref<160x128xf32, #tpu.memory_space<vmem>>) target_semaphore(%arg15 : memref<!tpu.dma_semaphore, #tpu.memory_space<semaphore_mem>>)
        %dma_start3A_165 = arith.constant 0 : i32
        %dma_start3A_166 = arith.constant 0 : i32
        %dma_start3A_167 = tpu.memref_slice %arg8[%rem3A_152, %dma_start3A_165, %dma_start3A_166] : memref<2x160x128xf32, #tpu.memory_space<vmem>> -> memref<1x160x128xf32, #tpu.memory_space<vmem>>
        %dma_start3A_168 = tpu.memref_squeeze %dma_start3A_167 : memref<1x160x128xf32, #tpu.memory_space<vmem>> -> memref<160x128xf32, #tpu.memory_space<vmem>>
        %dma_start3A_169 = arith.constant 0 : i32
        %dma_start3A_170 = tpu.memref_slice %arg3[%mul3A_150, %dma_start3A_169] : memref<100000x128xf32, #tpu.memory_space<hbm>> -> memref<160x128xf32, #tpu.memory_space<hbm>>
        %dma_start3A_171 = arith.constant 0 : i32
        %dma_start3A_172 = arith.constant 0 : i32
        %dma_start3A_173 = tpu.memref_slice %arg8[%rem3A_152, %dma_start3A_171, %dma_start3A_172] : memref<2x160x128xf32, #tpu.memory_space<vmem>> -> memref<1x160x128xf32, #tpu.memory_space<vmem>>
        %dma_start3A_174 = tpu.memref_squeeze %dma_start3A_173 : memref<1x160x128xf32, #tpu.memory_space<vmem>> -> memref<160x128xf32, #tpu.memory_space<vmem>>
        %dma_start3A_175 = arith.constant 0 : i32
        %dma_start3A_176 = tpu.memref_slice %arg3[%mul3A_150, %dma_start3A_175] : memref<100000x128xf32, #tpu.memory_space<hbm>> -> memref<160x128xf32, #tpu.memory_space<hbm>>
        tpu.enqueue_dma source(%dma_start3A_176 : memref<160x128xf32, #tpu.memory_space<hbm>>) target(%dma_start3A_174 : memref<160x128xf32, #tpu.memory_space<vmem>>) target_semaphore(%arg15 : memref<!tpu.dma_semaphore, #tpu.memory_space<semaphore_mem>>)
        %eq3A_177 = arith.constant 0 : i32
        %eq3A_178 = arith.cmpi eq, %rem3A_152, %eq3A_177 : i32
        %convert_element_type3A_179 = arith.extui %eq3A_178 : i1 to i32
        %cond3A_180 = arith.constant 0 : i32
        %cond3A_181 = arith.cmpi ne, %convert_element_type3A_179, %cond3A_180 : i32
        scf.if %cond3A_181 {
          %dma_start3A_187 = tpu.memref_slice %arg4[%mul3A_150] : memref<100000xf32, #tpu.memory_space<hbm>> -> memref<160xf32, #tpu.memory_space<hbm>>
          %dma_start3A_188 = tpu.memref_slice %arg4[%mul3A_150] : memref<100000xf32, #tpu.memory_space<hbm>> -> memref<160xf32, #tpu.memory_space<hbm>>
          tpu.enqueue_dma source(%dma_start3A_188 : memref<160xf32, #tpu.memory_space<hbm>>) target(%arg11 : memref<160xf32, #tpu.memory_space<vmem>>) target_semaphore(%arg15 : memref<!tpu.dma_semaphore, #tpu.memory_space<semaphore_mem>>)
          %dma_start3A_189 = tpu.memref_slice %arg5[%mul3A_150] : memref<100000xf32, #tpu.memory_space<hbm>> -> memref<160xf32, #tpu.memory_space<hbm>>
          %dma_start3A_190 = tpu.memref_slice %arg5[%mul3A_150] : memref<100000xf32, #tpu.memory_space<hbm>> -> memref<160xf32, #tpu.memory_space<hbm>>
          tpu.enqueue_dma source(%dma_start3A_190 : memref<160xf32, #tpu.memory_space<hbm>>) target(%arg13 : memref<160xf32, #tpu.memory_space<vmem>>) target_semaphore(%arg15 : memref<!tpu.dma_semaphore, #tpu.memory_space<semaphore_mem>>)
        } else {
        }
        %eq3A_182 = arith.constant 1 : i32
        %eq3A_183 = arith.cmpi eq, %rem3A_152, %eq3A_182 : i32
        %convert_element_type3A_184 = arith.extui %eq3A_183 : i1 to i32
        %cond3A_185 = arith.constant 0 : i32
        %cond3A_186 = arith.cmpi ne, %convert_element_type3A_184, %cond3A_185 : i32
        scf.if %cond3A_186 {
          %dma_start3A_187 = tpu.memref_slice %arg4[%mul3A_150] : memref<100000xf32, #tpu.memory_space<hbm>> -> memref<160xf32, #tpu.memory_space<hbm>>
          %dma_start3A_188 = tpu.memref_slice %arg4[%mul3A_150] : memref<100000xf32, #tpu.memory_space<hbm>> -> memref<160xf32, #tpu.memory_space<hbm>>
          tpu.enqueue_dma source(%dma_start3A_188 : memref<160xf32, #tpu.memory_space<hbm>>) target(%arg12 : memref<160xf32, #tpu.memory_space<vmem>>) target_semaphore(%arg15 : memref<!tpu.dma_semaphore, #tpu.memory_space<semaphore_mem>>)
          %dma_start3A_189 = tpu.memref_slice %arg5[%mul3A_150] : memref<100000xf32, #tpu.memory_space<hbm>> -> memref<160xf32, #tpu.memory_space<hbm>>
          %dma_start3A_190 = tpu.memref_slice %arg5[%mul3A_150] : memref<100000xf32, #tpu.memory_space<hbm>> -> memref<160xf32, #tpu.memory_space<hbm>>
          tpu.enqueue_dma source(%dma_start3A_190 : memref<160xf32, #tpu.memory_space<hbm>>) target(%arg14 : memref<160xf32, #tpu.memory_space<vmem>>) target_semaphore(%arg15 : memref<!tpu.dma_semaphore, #tpu.memory_space<semaphore_mem>>)
        } else {
        }
      } else {
      }
      %dma_start3A_131 = arith.constant 0 : i32
      %dma_start3A_132 = arith.constant 0 : i32
      %dma_start3A_133 = tpu.memref_slice %arg7[%rem3A_93, %dma_start3A_131, %dma_start3A_132] : memref<2x160x128xf32, #tpu.memory_space<vmem>> -> memref<1x160x128xf32, #tpu.memory_space<vmem>>
      %dma_start3A_134 = tpu.memref_squeeze %dma_start3A_133 : memref<1x160x128xf32, #tpu.memory_space<vmem>> -> memref<160x128xf32, #tpu.memory_space<vmem>>
      %dma_start3A_135 = arith.constant 0 : i32
      %dma_start3A_136 = tpu.memref_slice %arg6[%mul3A_91, %dma_start3A_135] : memref<100000x128xf32, #tpu.memory_space<hbm>> -> memref<160x128xf32, #tpu.memory_space<hbm>>
      %dma_start3A_137 = arith.constant 0 : i32
      %dma_start3A_138 = tpu.memref_slice %arg6[%mul3A_91, %dma_start3A_137] : memref<100000x128xf32, #tpu.memory_space<hbm>> -> memref<160x128xf32, #tpu.memory_space<hbm>>
      %dma_start3A_139 = arith.constant 0 : i32
      %dma_start3A_140 = arith.constant 0 : i32
      %dma_start3A_141 = tpu.memref_slice %arg7[%rem3A_93, %dma_start3A_139, %dma_start3A_140] : memref<2x160x128xf32, #tpu.memory_space<vmem>> -> memref<1x160x128xf32, #tpu.memory_space<vmem>>
      %dma_start3A_142 = tpu.memref_squeeze %dma_start3A_141 : memref<1x160x128xf32, #tpu.memory_space<vmem>> -> memref<160x128xf32, #tpu.memory_space<vmem>>
      tpu.enqueue_dma source(%dma_start3A_142 : memref<160x128xf32, #tpu.memory_space<vmem>>) target(%dma_start3A_138 : memref<160x128xf32, #tpu.memory_space<hbm>>) target_semaphore(%arg16 : memref<!tpu.dma_semaphore, #tpu.memory_space<semaphore_mem>>)
      %while3A_143 = arith.constant 0 : i32
      scf.yield %while3A_143 : i32
    }
    %while3A_69 = arith.constant 1 : i32
    %while3A_70 = scf.for %while3A_85 = %while3A_66 to %while3A_62 step %while3A_69 iter_args(%while3A_86 = %while3A_68) -> (i32)  : i32 {
      %mul3A_87 = arith.constant 32 : i32
      %mul3A_88 = arith.muli %while3A_85, %mul3A_87 : i32
      %add3A_89 = arith.addi %add3A, %mul3A_88 : i32
      %mul3A_90 = arith.constant 160 : i32
      %mul3A_91 = arith.muli %add3A_89, %mul3A_90 : i32
      %rem3A_92 = arith.constant 2 : i32
      %rem3A_93 = arith.remsi %while3A_85, %rem3A_92 : i32
      %dma_wait3A_94 = arith.constant 0 : i32
      %dma_wait3A_95 = arith.constant 0 : i32
      %dma_wait3A_96 = tpu.memref_slice %arg7[%rem3A_93, %dma_wait3A_94, %dma_wait3A_95] : memref<2x160x128xf32, #tpu.memory_space<vmem>> -> memref<1x160x128xf32, #tpu.memory_space<vmem>>
      %dma_wait3A_97 = tpu.memref_squeeze %dma_wait3A_96 : memref<1x160x128xf32, #tpu.memory_space<vmem>> -> memref<160x128xf32, #tpu.memory_space<vmem>>
      %dma_wait3A_98 = arith.constant 0 : i32
      %dma_wait3A_99 = tpu.memref_slice %arg2[%mul3A_91, %dma_wait3A_98] : memref<100000x128xf32, #tpu.memory_space<hbm>> -> memref<160x128xf32, #tpu.memory_space<hbm>>
      %dma_wait3A_100 = arith.constant 0 : i32
      %dma_wait3A_101 = arith.constant 0 : i32
      %dma_wait3A_102 = tpu.memref_slice %arg7[%rem3A_93, %dma_wait3A_100, %dma_wait3A_101] : memref<2x160x128xf32, #tpu.memory_space<vmem>> -> memref<1x160x128xf32, #tpu.memory_space<vmem>>
      %dma_wait3A_103 = tpu.memref_squeeze %dma_wait3A_102 : memref<1x160x128xf32, #tpu.memory_space<vmem>> -> memref<160x128xf32, #tpu.memory_space<vmem>>
      %dma_wait3A_104 = arith.constant 0 : i32
      %dma_wait3A_105 = tpu.memref_slice %arg2[%mul3A_91, %dma_wait3A_104] : memref<100000x128xf32, #tpu.memory_space<hbm>> -> memref<160x128xf32, #tpu.memory_space<hbm>>
      tpu.wait_dma2 semaphore(%arg15 : memref<!tpu.dma_semaphore, #tpu.memory_space<semaphore_mem>>) src(%dma_wait3A_105 : memref<160x128xf32, #tpu.memory_space<hbm>>) dst(%dma_wait3A_103 : memref<160x128xf32, #tpu.memory_space<vmem>>)
      %dma_wait3A_106 = arith.constant 0 : i32
      %dma_wait3A_107 = arith.constant 0 : i32
      %dma_wait3A_108 = tpu.memref_slice %arg8[%rem3A_93, %dma_wait3A_106, %dma_wait3A_107] : memref<2x160x128xf32, #tpu.memory_space<vmem>> -> memref<1x160x128xf32, #tpu.memory_space<vmem>>
      %dma_wait3A_109 = tpu.memref_squeeze %dma_wait3A_108 : memref<1x160x128xf32, #tpu.memory_space<vmem>> -> memref<160x128xf32, #tpu.memory_space<vmem>>
      %dma_wait3A_110 = arith.constant 0 : i32
      %dma_wait3A_111 = tpu.memref_slice %arg3[%mul3A_91, %dma_wait3A_110] : memref<100000x128xf32, #tpu.memory_space<hbm>> -> memref<160x128xf32, #tpu.memory_space<hbm>>
      %dma_wait3A_112 = arith.constant 0 : i32
      %dma_wait3A_113 = arith.constant 0 : i32
      %dma_wait3A_114 = tpu.memref_slice %arg8[%rem3A_93, %dma_wait3A_112, %dma_wait3A_113] : memref<2x160x128xf32, #tpu.memory_space<vmem>> -> memref<1x160x128xf32, #tpu.memory_space<vmem>>
      %dma_wait3A_115 = tpu.memref_squeeze %dma_wait3A_114 : memref<1x160x128xf32, #tpu.memory_space<vmem>> -> memref<160x128xf32, #tpu.memory_space<vmem>>
      %dma_wait3A_116 = arith.constant 0 : i32
      %dma_wait3A_117 = tpu.memref_slice %arg3[%mul3A_91, %dma_wait3A_116] : memref<100000x128xf32, #tpu.memory_space<hbm>> -> memref<160x128xf32, #tpu.memory_space<hbm>>
      tpu.wait_dma2 semaphore(%arg15 : memref<!tpu.dma_semaphore, #tpu.memory_space<semaphore_mem>>) src(%dma_wait3A_117 : memref<160x128xf32, #tpu.memory_space<hbm>>) dst(%dma_wait3A_115 : memref<160x128xf32, #tpu.memory_space<vmem>>)
      %dma_wait3A_118 = tpu.memref_slice %arg4[%mul3A_91] : memref<100000xf32, #tpu.memory_space<hbm>> -> memref<160xf32, #tpu.memory_space<hbm>>
      %dma_wait3A_119 = tpu.memref_slice %arg4[%mul3A_91] : memref<100000xf32, #tpu.memory_space<hbm>> -> memref<160xf32, #tpu.memory_space<hbm>>
      tpu.wait_dma2 semaphore(%arg15 : memref<!tpu.dma_semaphore, #tpu.memory_space<semaphore_mem>>) src(%dma_wait3A_119 : memref<160xf32, #tpu.memory_space<hbm>>) dst(%arg11 : memref<160xf32, #tpu.memory_space<vmem>>)
      %dma_wait3A_120 = tpu.memref_slice %arg5[%mul3A_91] : memref<100000xf32, #tpu.memory_space<hbm>> -> memref<160xf32, #tpu.memory_space<hbm>>
      %dma_wait3A_121 = tpu.memref_slice %arg5[%mul3A_91] : memref<100000xf32, #tpu.memory_space<hbm>> -> memref<160xf32, #tpu.memory_space<hbm>>
      tpu.wait_dma2 semaphore(%arg15 : memref<!tpu.dma_semaphore, #tpu.memory_space<semaphore_mem>>) src(%dma_wait3A_121 : memref<160xf32, #tpu.memory_space<hbm>>) dst(%arg13 : memref<160xf32, #tpu.memory_space<vmem>>)
      %ge3A = arith.constant 1 : i32
      %ge3A_122 = arith.cmpi sge, %while3A_85, %ge3A : i32
      %convert_element_type3A_123 = arith.extui %ge3A_122 : i1 to i32
      %cond3A_124 = arith.constant 0 : i32
      %cond3A_125 = arith.cmpi ne, %convert_element_type3A_123, %cond3A_124 : i32
      scf.if %cond3A_125 {
        %sub3A_144 = arith.constant 1 : i32
        %sub3A_145 = arith.subi %sub3A_144, %rem3A_93 : i32
        %dma_wait3A_146 = arith.constant 0 : i32
        %dma_wait3A_147 = arith.constant 0 : i32
        %dma_wait3A_148 = tpu.memref_slice %arg7[%sub3A_145, %dma_wait3A_146, %dma_wait3A_147] : memref<2x160x128xf32, #tpu.memory_space<vmem>> -> memref<1x160x128xf32, #tpu.memory_space<vmem>>
        %dma_wait3A_149 = tpu.memref_squeeze %dma_wait3A_148 : memref<1x160x128xf32, #tpu.memory_space<vmem>> -> memref<160x128xf32, #tpu.memory_space<vmem>>
        %dma_wait3A_150 = arith.constant 0 : i32
        %dma_wait3A_151 = arith.constant 0 : i32
        %dma_wait3A_152 = tpu.memref_slice %arg6[%dma_wait3A_150, %dma_wait3A_151] : memref<100000x128xf32, #tpu.memory_space<hbm>> -> memref<160x128xf32, #tpu.memory_space<hbm>>
        %dma_wait3A_153 = arith.constant 0 : i32
        %dma_wait3A_154 = arith.constant 0 : i32
        %dma_wait3A_155 = tpu.memref_slice %arg6[%dma_wait3A_153, %dma_wait3A_154] : memref<100000x128xf32, #tpu.memory_space<hbm>> -> memref<160x128xf32, #tpu.memory_space<hbm>>
        %dma_wait3A_156 = arith.constant 0 : i32
        %dma_wait3A_157 = arith.constant 0 : i32
        %dma_wait3A_158 = tpu.memref_slice %arg7[%sub3A_145, %dma_wait3A_156, %dma_wait3A_157] : memref<2x160x128xf32, #tpu.memory_space<vmem>> -> memref<1x160x128xf32, #tpu.memory_space<vmem>>
        %dma_wait3A_159 = tpu.memref_squeeze %dma_wait3A_158 : memref<1x160x128xf32, #tpu.memory_space<vmem>> -> memref<160x128xf32, #tpu.memory_space<vmem>>
        tpu.wait_dma2 semaphore(%arg16 : memref<!tpu.dma_semaphore, #tpu.memory_space<semaphore_mem>>) src(%dma_wait3A_159 : memref<160x128xf32, #tpu.memory_space<vmem>>) dst(%dma_wait3A_155 : memref<160x128xf32, #tpu.memory_space<hbm>>)
      } else {
      }
      %add3A_126 = arith.constant 1 : i32
      %add3A_127 = arith.addi %while3A_85, %add3A_126 : i32
      %lt3A = arith.cmpi slt, %add3A_127, %select_n3A : i32
      %convert_element_type3A_128 = arith.extui %lt3A : i1 to i32
      %cond3A_129 = arith.constant 0 : i32
      %cond3A_130 = arith.cmpi ne, %convert_element_type3A_128, %cond3A_129 : i32
      scf.if %cond3A_130 {
        %add3A_144 = arith.constant 1 : i32
        %add3A_145 = arith.addi %while3A_85, %add3A_144 : i32
        %mul3A_146 = arith.constant 32 : i32
        %mul3A_147 = arith.muli %add3A_145, %mul3A_146 : i32
        %add3A_148 = arith.addi %add3A, %mul3A_147 : i32
        %mul3A_149 = arith.constant 160 : i32
        %mul3A_150 = arith.muli %add3A_148, %mul3A_149 : i32
        %rem3A_151 = arith.constant 2 : i32
        %rem3A_152 = arith.remsi %add3A_145, %rem3A_151 : i32
        %dma_start3A_153 = arith.constant 0 : i32
        %dma_start3A_154 = arith.constant 0 : i32
        %dma_start3A_155 = tpu.memref_slice %arg7[%rem3A_152, %dma_start3A_153, %dma_start3A_154] : memref<2x160x128xf32, #tpu.memory_space<vmem>> -> memref<1x160x128xf32, #tpu.memory_space<vmem>>
        %dma_start3A_156 = tpu.memref_squeeze %dma_start3A_155 : memref<1x160x128xf32, #tpu.memory_space<vmem>> -> memref<160x128xf32, #tpu.memory_space<vmem>>
        %dma_start3A_157 = arith.constant 0 : i32
        %dma_start3A_158 = tpu.memref_slice %arg2[%mul3A_150, %dma_start3A_157] : memref<100000x128xf32, #tpu.memory_space<hbm>> -> memref<160x128xf32, #tpu.memory_space<hbm>>
        %dma_start3A_159 = arith.constant 0 : i32
        %dma_start3A_160 = arith.constant 0 : i32
        %dma_start3A_161 = tpu.memref_slice %arg7[%rem3A_152, %dma_start3A_159, %dma_start3A_160] : memref<2x160x128xf32, #tpu.memory_space<vmem>> -> memref<1x160x128xf32, #tpu.memory_space<vmem>>
        %dma_start3A_162 = tpu.memref_squeeze %dma_start3A_161 : memref<1x160x128xf32, #tpu.memory_space<vmem>> -> memref<160x128xf32, #tpu.memory_space<vmem>>
        %dma_start3A_163 = arith.constant 0 : i32
        %dma_start3A_164 = tpu.memref_slice %arg2[%mul3A_150, %dma_start3A_163] : memref<100000x128xf32, #tpu.memory_space<hbm>> -> memref<160x128xf32, #tpu.memory_space<hbm>>
        tpu.enqueue_dma source(%dma_start3A_164 : memref<160x128xf32, #tpu.memory_space<hbm>>) target(%dma_start3A_162 : memref<160x128xf32, #tpu.memory_space<vmem>>) target_semaphore(%arg15 : memref<!tpu.dma_semaphore, #tpu.memory_space<semaphore_mem>>)
        %dma_start3A_165 = arith.constant 0 : i32
        %dma_start3A_166 = arith.constant 0 : i32
        %dma_start3A_167 = tpu.memref_slice %arg8[%rem3A_152, %dma_start3A_165, %dma_start3A_166] : memref<2x160x128xf32, #tpu.memory_space<vmem>> -> memref<1x160x128xf32, #tpu.memory_space<vmem>>
        %dma_start3A_168 = tpu.memref_squeeze %dma_start3A_167 : memref<1x160x128xf32, #tpu.memory_space<vmem>> -> memref<160x128xf32, #tpu.memory_space<vmem>>
        %dma_start3A_169 = arith.constant 0 : i32
        %dma_start3A_170 = tpu.memref_slice %arg3[%mul3A_150, %dma_start3A_169] : memref<100000x128xf32, #tpu.memory_space<hbm>> -> memref<160x128xf32, #tpu.memory_space<hbm>>
        %dma_start3A_171 = arith.constant 0 : i32
        %dma_start3A_172 = arith.constant 0 : i32
        %dma_start3A_173 = tpu.memref_slice %arg8[%rem3A_152, %dma_start3A_171, %dma_start3A_172] : memref<2x160x128xf32, #tpu.memory_space<vmem>> -> memref<1x160x128xf32, #tpu.memory_space<vmem>>
        %dma_start3A_174 = tpu.memref_squeeze %dma_start3A_173 : memref<1x160x128xf32, #tpu.memory_space<vmem>> -> memref<160x128xf32, #tpu.memory_space<vmem>>
        %dma_start3A_175 = arith.constant 0 : i32
        %dma_start3A_176 = tpu.memref_slice %arg3[%mul3A_150, %dma_start3A_175] : memref<100000x128xf32, #tpu.memory_space<hbm>> -> memref<160x128xf32, #tpu.memory_space<hbm>>
        tpu.enqueue_dma source(%dma_start3A_176 : memref<160x128xf32, #tpu.memory_space<hbm>>) target(%dma_start3A_174 : memref<160x128xf32, #tpu.memory_space<vmem>>) target_semaphore(%arg15 : memref<!tpu.dma_semaphore, #tpu.memory_space<semaphore_mem>>)
        %eq3A_177 = arith.constant 0 : i32
        %eq3A_178 = arith.cmpi eq, %rem3A_152, %eq3A_177 : i32
        %convert_element_type3A_179 = arith.extui %eq3A_178 : i1 to i32
        %cond3A_180 = arith.constant 0 : i32
        %cond3A_181 = arith.cmpi ne, %convert_element_type3A_179, %cond3A_180 : i32
        scf.if %cond3A_181 {
          %dma_start3A_187 = tpu.memref_slice %arg4[%mul3A_150] : memref<100000xf32, #tpu.memory_space<hbm>> -> memref<160xf32, #tpu.memory_space<hbm>>
          %dma_start3A_188 = tpu.memref_slice %arg4[%mul3A_150] : memref<100000xf32, #tpu.memory_space<hbm>> -> memref<160xf32, #tpu.memory_space<hbm>>
          tpu.enqueue_dma source(%dma_start3A_188 : memref<160xf32, #tpu.memory_space<hbm>>) target(%arg11 : memref<160xf32, #tpu.memory_space<vmem>>) target_semaphore(%arg15 : memref<!tpu.dma_semaphore, #tpu.memory_space<semaphore_mem>>)
          %dma_start3A_189 = tpu.memref_slice %arg5[%mul3A_150] : memref<100000xf32, #tpu.memory_space<hbm>> -> memref<160xf32, #tpu.memory_space<hbm>>
          %dma_start3A_190 = tpu.memref_slice %arg5[%mul3A_150] : memref<100000xf32, #tpu.memory_space<hbm>> -> memref<160xf32, #tpu.memory_space<hbm>>
          tpu.enqueue_dma source(%dma_start3A_190 : memref<160xf32, #tpu.memory_space<hbm>>) target(%arg13 : memref<160xf32, #tpu.memory_space<vmem>>) target_semaphore(%arg15 : memref<!tpu.dma_semaphore, #tpu.memory_space<semaphore_mem>>)
        } else {
        }
        %eq3A_182 = arith.constant 1 : i32
        %eq3A_183 = arith.cmpi eq, %rem3A_152, %eq3A_182 : i32
        %convert_element_type3A_184 = arith.extui %eq3A_183 : i1 to i32
        %cond3A_185 = arith.constant 0 : i32
        %cond3A_186 = arith.cmpi ne, %convert_element_type3A_184, %cond3A_185 : i32
        scf.if %cond3A_186 {
          %dma_start3A_187 = tpu.memref_slice %arg4[%mul3A_150] : memref<100000xf32, #tpu.memory_space<hbm>> -> memref<160xf32, #tpu.memory_space<hbm>>
          %dma_start3A_188 = tpu.memref_slice %arg4[%mul3A_150] : memref<100000xf32, #tpu.memory_space<hbm>> -> memref<160xf32, #tpu.memory_space<hbm>>
          tpu.enqueue_dma source(%dma_start3A_188 : memref<160xf32, #tpu.memory_space<hbm>>) target(%arg12 : memref<160xf32, #tpu.memory_space<vmem>>) target_semaphore(%arg15 : memref<!tpu.dma_semaphore, #tpu.memory_space<semaphore_mem>>)
          %dma_start3A_189 = tpu.memref_slice %arg5[%mul3A_150] : memref<100000xf32, #tpu.memory_space<hbm>> -> memref<160xf32, #tpu.memory_space<hbm>>
          %dma_start3A_190 = tpu.memref_slice %arg5[%mul3A_150] : memref<100000xf32, #tpu.memory_space<hbm>> -> memref<160xf32, #tpu.memory_space<hbm>>
          tpu.enqueue_dma source(%dma_start3A_190 : memref<160xf32, #tpu.memory_space<hbm>>) target(%arg14 : memref<160xf32, #tpu.memory_space<vmem>>) target_semaphore(%arg15 : memref<!tpu.dma_semaphore, #tpu.memory_space<semaphore_mem>>)
        } else {
        }
      } else {
      }
      %dma_start3A_131 = arith.constant 0 : i32
      %dma_start3A_132 = arith.constant 0 : i32
      %dma_start3A_133 = tpu.memref_slice %arg7[%rem3A_93, %dma_start3A_131, %dma_start3A_132] : memref<2x160x128xf32, #tpu.memory_space<vmem>> -> memref<1x160x128xf32, #tpu.memory_space<vmem>>
      %dma_start3A_134 = tpu.memref_squeeze %dma_start3A_133 : memref<1x160x128xf32, #tpu.memory_space<vmem>> -> memref<160x128xf32, #tpu.memory_space<vmem>>
      %dma_start3A_135 = arith.constant 0 : i32
      %dma_start3A_136 = tpu.memref_slice %arg6[%mul3A_91, %dma_start3A_135] : memref<100000x128xf32, #tpu.memory_space<hbm>> -> memref<160x128xf32, #tpu.memory_space<hbm>>
      %dma_start3A_137 = arith.constant 0 : i32
      %dma_start3A_138 = tpu.memref_slice %arg6[%mul3A_91, %dma_start3A_137] : memref<100000x128xf32, #tpu.memory_space<hbm>> -> memref<160x128xf32, #tpu.memory_space<hbm>>
      %dma_start3A_139 = arith.constant 0 : i32
      %dma_start3A_140 = arith.constant 0 : i32
      %dma_start3A_141 = tpu.memref_slice %arg7[%rem3A_93, %dma_start3A_139, %dma_start3A_140] : memref<2x160x128xf32, #tpu.memory_space<vmem>> -> memref<1x160x128xf32, #tpu.memory_space<vmem>>
      %dma_start3A_142 = tpu.memref_squeeze %dma_start3A_141 : memref<1x160x128xf32, #tpu.memory_space<vmem>> -> memref<160x128xf32, #tpu.memory_space<vmem>>
      tpu.enqueue_dma source(%dma_start3A_142 : memref<160x128xf32, #tpu.memory_space<vmem>>) target(%dma_start3A_138 : memref<160x128xf32, #tpu.memory_space<hbm>>) target_semaphore(%arg16 : memref<!tpu.dma_semaphore, #tpu.memory_space<semaphore_mem>>)
      %while3A_143 = arith.constant 0 : i32
      scf.yield %while3A_143 : i32
    }
    %dma_wait3A = arith.constant 0 : i32
    %dma_wait3A_71 = arith.constant 0 : i32
    %dma_wait3A_72 = arith.constant 0 : i32
    %dma_wait3A_73 = tpu.memref_slice %arg7[%dma_wait3A, %dma_wait3A_71, %dma_wait3A_72] : memref<2x160x128xf32, #tpu.memory_space<vmem>> -> memref<1x160x128xf32, #tpu.memory_space<vmem>>
    %dma_wait3A_74 = tpu.memref_squeeze %dma_wait3A_73 : memref<1x160x128xf32, #tpu.memory_space<vmem>> -> memref<160x128xf32, #tpu.memory_space<vmem>>
    %dma_wait3A_75 = arith.constant 0 : i32
    %dma_wait3A_76 = arith.constant 0 : i32
    %dma_wait3A_77 = tpu.memref_slice %arg6[%dma_wait3A_75, %dma_wait3A_76] : memref<100000x128xf32, #tpu.memory_space<hbm>> -> memref<160x128xf32, #tpu.memory_space<hbm>>
    %dma_wait3A_78 = arith.constant 0 : i32
    %dma_wait3A_79 = arith.constant 0 : i32
    %dma_wait3A_80 = tpu.memref_slice %arg6[%dma_wait3A_78, %dma_wait3A_79] : memref<100000x128xf32, #tpu.memory_space<hbm>> -> memref<160x128xf32, #tpu.memory_space<hbm>>
    %dma_wait3A_81 = arith.constant 0 : i32
    %dma_wait3A_82 = arith.constant 0 : i32
    %dma_wait3A_83 = tpu.memref_slice %arg7[%dma_wait3A, %dma_wait3A_81, %dma_wait3A_82] : memref<2x160x128xf32, #tpu.memory_space<vmem>> -> memref<1x160x128xf32, #tpu.memory_space<vmem>>
    %dma_wait3A_84 = tpu.memref_squeeze %dma_wait3A_83 : memref<1x160x128xf32, #tpu.memory_space<vmem>> -> memref<160x128xf32, #tpu.memory_space<vmem>>
    tpu.wait_dma2 semaphore(%arg16 : memref<!tpu.dma_semaphore, #tpu.memory_space<semaphore_mem>>) src(%dma_wait3A_84 : memref<160x128xf32, #tpu.memory_space<vmem>>) dst(%dma_wait3A_80 : memref<160x128xf32, #tpu.memory_space<hbm>>)
    return
  }
}

</mosaic_0001>

<sc_bundles>
// kernel: kernel.3.cloned.1.call-start
scs
__scs_entry_jumppad:
0x0: {  	(pc) =	sbr.rel $0x88, $3  }
0x1: {  	(tag) =	ssettag $0x0;
	lr =	simm.s32 $0x1  }
0x2: {  	[smem:$0x3F9D] =	sst lr;
	_ =	strace $0xD0000000  }
0x3: {  	_ = 	snop  }
0x4: {  	_ = 	snop  }
0x5: {  	_ = 	snop  }
0x6: {  	_ = 	snop  }
0x7: {  	_ = 	snop  }
__scs_overlays_trampoline_lowered:
0x8: {  	[smem:$0x3FAC] =	sst s0  }
0x9: {  	[smem:$0x3FAD] =	sst s1  }
0xa: {  	[smem:$0x3FAE] =	sst s2  }
0xb: {  	[smem:$0x3FAF] =	sst s3  }
0xc: {  	[smem:$0x3FB0] =	sst s4  }
0xd: {  	[smem:$0x3FB1] =	sst s5  }
0xe: {  	[smem:$0x3FB2] =	sst s6  }
0xf: {  	[smem:$0x3FB3] =	sst s7  }
0x10: {  	[smem:$0x3FB4] =	sst s8  }
0x11: {  	[smem:$0x3FB5] =	sst s9;
	s0 =	simm.s32 @!p0 $0x0  }
0x12: {  	s1 =	sld [smem:$0x3F9B];
	s0 =	simm.s32 @p0 $0x1  }
0x13: {  	[smem:$0x3FB6] =	sst s0;
	s0 =	simm.s32 @!p1 $0x0  }
0x14: {  	s2 =	sld [smem:$0x3F9A];
	s0 =	simm.s32 @p1 $0x1  }
0x15: {  	[smem:$0x3FB7] =	sst s0;
	s0 =	simm.s32 @!p2 $0x0  }
0x16: {  	s3 =	sld [smem:$0x3FDB];
	s0 =	simm.s32 @p2 $0x1  }
0x17: {  	s4 =	simm.s32 $0x1BF5;
	[smem:$0x3FB9] =	sst s0  }
0x18: {  	s0 =	sld [smem:$0x3F9C];
	_ =	swait.ge [sflag:s4], $0x0  }
0x19: {  	s7 =	sld [smem:$0x3F9D]  }
0x1a: {  	s8 =	sadd.s32 $0xFFFFE003, lr  }
0x1b: {  	s9 =	sadd.s32 $0xFFFFFEF7, lr;
	s5 =	simm.s32 $0xFFFFFFFF;
	p2 =	slt.u32 s8, $0xFFFFF086  }
0x1c: {  	p1 =	slt.u32 s9, $0xF7A;
	s5 =	simm.s32 @!p2 $0x0  }
0x1d: {  	s5 =	simm.s32 @p1 $0x1;
	p0 =	seq.s32 s7, s2  }
0x1e: {  	s7 =	smul.u32 @!p0 $0xF7A, s2;
	p2 =	seq.s32 @!p0 s5, $0x0  }
0x1f: {  	s9 =	smul.u32 $0xF7A, s1;
	s8 =	simm.s32 @!p0 $0x1BF5;
	p2 =	por !p2, p0  }
0x20: {  	[sflag:s8] =	ssyncset.s32 @!p0 $0xFFFFF086;
	s6 =	sadd.s32 @!p0 s3, s7;
	s7 =	simm.s32 @!p0 $0x108  }
0x21: {  	s3 =	sadd.s32 s3, s9;
	s6 =	sadd.s32 @!p0 $0x88, s6;
	s7 =	simm.s32 @p2 $0x1082  }
0x22: {  	[simem:s7], [sflag:s8] =	dma.local @!p0 [hbm:s6], $0xF7A  }
0x23: {  	s9 =	sor.u32 $0xD0000000, s2;
	s6 =	simm.s32 $0x108;
	_ =	swait.ge @!p0 [sflag:s8], $0x0  }
0x24: {  	s3 =	sadd.s32 $0x88, s3;
	s6 =	simm.s32 @!p1 $0x1082;
	[sflag:s4] =	ssyncset.s32 $0xFFFFF086  }
0x25: {  	[simem:s6], [sflag:s4] =	dma.local [hbm:s3], $0xF7A  }
0x26: {  	[smem:$0x3F9D] =	sst s1;
	(tag) =	ssettag s2;
	_ =	strace s9  }
0x27: {  	s1 =	sld [smem:$0x3FAD]  }
0x28: {  	s2 =	sld [smem:$0x3FAE]  }
0x29: {  	s4 =	sld [smem:$0x3FB0]  }
0x2a: {  	p0 =	seq.s32 s5, $0x0;
	s5 =	sld [smem:$0x3FB1]  }
0x2b: {  	s6 =	sld [smem:$0x3FB2]  }
0x2c: {  	s7 =	sld [smem:$0x3FB3]  }
0x2d: {  	s3 =	simm.s32 $0x108;
	s8 =	sld [smem:$0x3FB4]  }
0x2e: {  	s3 =	simm.s32 @!p0 $0x1082;
	s9 =	sld [smem:$0x3FB5]  }
0x2f: {  	lr =	sadd.s32 s0, s3;
	s0 =	sld [smem:$0x3FAC]  }
0x30: {  	s3 =	sld [smem:$0x3FAF]  }
0x31: {  	[smem:$0x3FB8] =	sst s10  }
0x32: {  	s10 =	sld [smem:$0x3FB6];
	_ =	sdelay $0x3  }
0x33: {  	p0 =	seq.s32 s10, $0x1;
	s10 =	sld [smem:$0x3FB8];
	_ =	sdelay $0x3  }
0x34: {  	[smem:$0x3FB8] =	sst s10  }
0x35: {  	s10 =	sld [smem:$0x3FB7];
	_ =	sdelay $0x3  }
0x36: {  	p1 =	seq.s32 s10, $0x1;
	s10 =	sld [smem:$0x3FB8];
	_ =	sdelay $0x3  }
0x37: {  	[smem:$0x3FB8] =	sst s10  }
0x38: {  	s10 =	sld [smem:$0x3FB9]  }
0x39: {  	_ = 	snop;
	(pc) =	sbr.ind lr, $3  }
0x3a: {  	_ = 	snop  }
0x3b: {  	_ = 	snop  }
0x3c: {  	p2 =	seq.s32 s10, $0x1;
	s10 =	sld [smem:$0x3FB8]  }
0x3d: {  	_ =	shalt  }
0x3e: {  	_ =	shalt  }
0x3f: {  	_ =	shalt  }
0x40: {  	_ =	shalt  }
0x41: {  	_ =	shalt  }
0x42: {  	_ =	shalt  }
0x43: {  	_ =	shalt  }
0x44: {  	_ =	shalt  }
0x45: {  	_ =	shalt  }
0x46: {  	_ =	shalt  }
0x47: {  	_ =	shalt  }
0x48: {  	_ =	shalt  }
0x49: {  	_ =	shalt  }
0x4a: {  	_ =	shalt  }
0x4b: {  	_ =	shalt  }
0x4c: {  	_ =	shalt  }
0x4d: {  	_ =	shalt  }
0x4e: {  	_ =	shalt  }
0x4f: {  	_ =	shalt  }
0x50: {  	_ =	shalt  }
0x51: {  	_ =	shalt  }
0x52: {  	_ =	shalt  }
0x53: {  	_ =	shalt  }
0x54: {  	_ =	shalt  }
0x55: {  	_ =	shalt  }
0x56: {  	_ =	shalt  }
0x57: {  	_ =	shalt  }
0x58: {  	_ =	shalt  }
0x59: {  	_ =	shalt  }
0x5a: {  	_ =	shalt  }
0x5b: {  	_ =	shalt  }
0x5c: {  	_ =	shalt  }
0x5d: {  	_ =	shalt  }
0x5e: {  	_ =	shalt  }
0x5f: {  	_ =	shalt  }
0x60: {  	_ =	shalt  }
0x61: {  	_ =	shalt  }
0x62: {  	_ =	shalt  }
0x63: {  	_ =	shalt  }
0x64: {  	_ =	shalt  }
0x65: {  	_ =	shalt  }
0x66: {  	_ =	shalt  }
0x67: {  	_ =	shalt  }
0x68: {  	_ =	shalt  }
0x69: {  	_ =	shalt  }
0x6a: {  	_ =	shalt  }
0x6b: {  	_ =	shalt  }
0x6c: {  	_ =	shalt  }
0x6d: {  	_ =	shalt  }
0x6e: {  	_ =	shalt  }
0x6f: {  	_ =	shalt  }
0x70: {  	_ =	shalt  }
0x71: {  	_ =	shalt  }
0x72: {  	_ =	shalt  }
0x73: {  	_ =	shalt  }
0x74: {  	_ =	shalt  }
0x75: {  	_ =	shalt  }
0x76: {  	_ =	shalt  }
0x77: {  	_ =	shalt  }
0x78: {  	_ =	shalt  }
0x79: {  	_ =	shalt  }
0x7a: {  	_ =	shalt  }
0x7b: {  	_ =	shalt  }
0x7c: {  	_ =	shalt  }
0x7d: {  	_ =	shalt  }
0x7e: {  	_ =	shalt  }
0x7f: {  	_ =	shalt  }
0x80: {  	_ =	shalt  }
0x81: {  	_ =	shalt  }
0x82: {  	_ =	shalt  }
0x83: {  	_ =	shalt  }
0x84: {  	_ =	shalt  }
0x85: {  	_ =	shalt  }
0x86: {  	_ =	shalt  }
0x87: {  	_ =	shalt  }
.Lfunc_end0:
.L_simem_size_0:
called_computation_lowered:
.L_overlay_start_0:
0x88: {  	s2 =	sld [smem:$0x3FD9]  }
0x89: {  	s3 =	sld [smem:$0x3FFE];
	_ =	sdelay $0x1  }
0x8a: {  	s1 =	srdreg.scid  }
0x8b: {  	s0 =	sand.u32 $0x1, s1  }
0x8c: {  	s17 =	sshll.u32 s0, $0xA;
	s2 =	sadd.s32 s3, s2  }
0x8d: {  	s2 =	sadd.s32 s2, s17  }
0x8e: {  	[smem:$0x3FC4] =	sst s2  }
0x8f: {  	_ = 	snop  }
0x90: {  	s2 =	sld [smem:$0x3FC9]  }
0x91: {  	s18 =	sld [smem:$0x3FC7]  }
0x92: {  	s4 =	sld [smem:$0x3FD0];
	(tm) =	ssettm $0x1  }
0x93: {  	s5 =	sld [smem:$0x3FFB];
	_ =	sdelay $0x3  }
0x94: {  	_ =	strace s5  }
0x95: {  	s5 =	sld [smem:$0x3FFC];
	_ =	sdelay $0x3  }
0x96: {  	_ =	strace s5  }
0x97: {  	s5 =	sld [smem:$0x3FFD];
	_ =	sdelay $0x3  }
0x98: {  	_ =	strace s5  }
0x99: {  	_ =	strace $0x8FFFFFFF  }
0x9a: {  	s19 =	sld [smem:$0x3FDB];
	_ =	sdelay $0x1  }
0x9b: {  	s6 =	simm.s32 $_scs_section_size  }
0x9c: {  	s7 =	simm.s32 $_size__tile_overlayer_lowered;
	s8 =	simm.s32 $_tile_overlayer_lowered  }
0x9d: {  	s22 =	simm.s32 $0x1BFF;
	s21 =	sshll.u32 s8, $0x1;
	s5 =	sadd.s32 s6, s19  }
0x9e: {  	s9 =	simm.s32 $0x0;
	s20 =	sshll.u32 s7, $0x1;
	s7 =	sadd.s32 s21, s5  }
0x9f: {  	[timem:s9], [sflag:s22] =	dma.local [hbm:s7], s20  }
0xa0: {  	_ =	swait.ge [sflag:s22], s20  }
0xa1: {  	s6 =	ssub.s32 $0x0, s20;
	[sflag:s22] =	ssyncset.done $0x0  }
0xa2: {  	[sflag:s22] =	ssyncadd.s32 s6;
	_ =	sdelay $0x1  }
0xa3: {  	s23 =	simm.s32 $0x1B8B  }
0xa4: {  	_ =	swait.ge [sflag:s23], $0x1  }
0xa5: {  	[sflag:s23] =	ssyncset.done $0x0  }
0xa6: {  	s25 =	simm.s32 $0x1B8E;
	s24 =	sld [smem:$0x3FFE];
	[sflag:s23] =	ssyncadd.s32 $0xFFFFFFFF  }
0xa7: {  	s26 =	simm.s32 $execute0_lowered;
	[smem:$0x3FD2] =	sst s25  }
0xa8: {  	s7 =	sshll.u32 s26, $0x1;
	_ =	strace $0x80000046;
	[dreg:$0x1] =	wrdreg $0xFFFFFFFF  }
0xa9: {  	s28 =	simm.s32 $_size_execute0_lowered;
	s5 =	sadd.s32 s5, s7;
	[dreg:$0x0] =	wrdreg $0x0  }
0xaa: {  	s7 =	sshll.u32 s28, $0x1;
	[dreg:$0x2] =	wrdreg s5  }
0xab: {  	[dreg:$0x3] =	wrdreg s7  }
0xac: {  	[dreg:$0x4] =	wrdreg $0xC0  }
0xad: {  	_ =	task [dreg:s9], $0x5FFFF  }
0xae: {  	[dreg:$0x1] =	wrdreg $0xFFFFFFFF  }
0xaf: {  	[dreg:$0x0] =	wrdreg $0x60  }
0xb0: {  	[dreg:$0x2] =	wrdreg s2  }
0xb1: {  	[dreg:$0x3] =	wrdreg s18  }
0xb2: {  	[dreg:$0x4] =	wrdreg s24  }
0xb3: {  	[dreg:$0x5] =	wrdreg s4  }
0xb4: {  	[dreg:$0x6] =	wrdreg $0x9  }
0xb5: {  	_ =	task.clear_ibuf [dreg:s9], $0x7FFFF;
	_ =	strace $0x90000046  }
0xb6: {  	s29 =	simm.s32 $0x9;
	_ =	strace $0x80000048  }
0xb7: {  	_ =	swait.ge [sflag:s29], $0x1  }
0xb8: {  	[sflag:s29] =	ssyncadd.s32 $0xFFFFFFFF  }
0xb9: {  	_ =	strace $0x90000048  }
0xba: {  	_ =	sfence  }
0xbb: {  	s30 =	sld [smem:$0x0];
	_ =	sdelay $0x2  }
0xbc: {  	s31 =	sshll.u32 s1, $0xD;
	s1 =	sshrl.u32 s1, $0x2  }
0xbd: {  	s3 =	sand.u32 $0x4000, s31;
	s1 =	sadd.s32 s1, s30  }
0xbe: {  	s0 =	sor.u32 s3, s0;
	s1 =	sshll.u32 s1, $0x11  }
0xbf: {  	s0 =	sor.u32 s1, s0  }
0xc0: {  	s0 =	sadd.s32 $0x8F2B, s0  }
0xc1: {  	[sflag:s0] =	ssyncadd.remote.s32 $0x1  }
0xc2: {  	_ =	sfence.sel $0xFFFF  }
0xc3: {  	[dreg:$0x0] =	wrdreg $0xFFFFFFFF;
	(pc) =	sbr.abs _section_cstart, $3  }
0xc4: {  	[dreg:$0x1] =	wrdreg $0xFFFFFFFF  }
0xc5: {  	_ =	task.clear_ibuf [dreg:s9], $0x2FFFF;
	_ =	strace $0x9FFFFFFF  }
0xc6: {  	(tm) =	ssettm $0x7FFFFFFF  }
0xc7: {  	_ =	shalt  }
tec
execute0_lowered:
.L_overlay_start_1:
0x0: {  	(tag) =	ssettag $0x1  }
0x1: {  	s0 =	rddreg [dreg:$0x0]  }
0x2: {  	s2 =	rddreg [dreg:$0x1]  }
0x3: {  	s4 =	rddreg [dreg:$0x2]  }
0x4: {  	s1 =	rddreg [dreg:$0x3];
	s3 =	simm.s32 $0x0  }
0x5: {  	s5 =	srdreg.scid;
	s22 =	stileid.u32;
	s24 =	simm.s32 $0x1  }
0x6: {  	s30 =	simm.s32 $0x2;
	s31 =	simm.s32 $0x0;
	s19 =	smul.u32 $0x28, s22  }
0x7: {  	[smem:$0x7FF] =	sst s3;
	s15 =	sand.u32 $0x1, s5;
	s28 =	smul.u32 $0x1400, s22  }
0x8: {  	s6 =	sshll.u32 s22, $0x1;
	s14 =	sadd.s32 $0x400, s4;
	s20 =	smul.u32 $0x14, s15  }
0x9: {  	s5 =	ssub.s32 $0x2, s15;
	s16 =	sor.u32 s15, s6;
	s15 =	smul.u32 $0xA00, s15  }
0xa: {  	s17 =	sadd.s32 $0x3600, s4;
	_ =	strace $0x80000047;
	s18 =	smul.u32 $0xA00, s16  }
0xb: {  	s7 =	sshrl.u32 s5, $0x1;
	s25 =	ssub.s32 $0x290, s16;
	s8 =	smul.u32 $0x14, s16  }
0xc: {  	s10 =	sor.u32 $0x20, s16;
	s21 =	sadd.s32 s19, s14;
	s29 =	smul.u32 $0x5000, s16  }
0xd: {  	s9 =	ssub.s32 s5, s7;
	s4 =	sshrl.u32 s25, $0x5;
	s11 =	smul.u32 $0xA00, s10  }
0xe: {  	s13 =	smul.u32 $0x14, s10;
	s26 =	sadd.s32 s20, s21;
	s5 =	sadd.s32 s0, s18  }
0xf: {  	s6 =	sadd.s32 s2, s18;
	s7 =	sadd.s32 s14, s8;
	s8 =	sadd.s32 s17, s8  }
0x10: {  	s9 =	smax.u32 s9, $0x1;
	s25 =	sadd.s32 $0x500, s26;
	s10 =	sadd.s32 s0, s11  }
0x11: {  	s11 =	sadd.s32 s2, s11;
	s12 =	sadd.s32 s14, s13;
	s13 =	sadd.s32 s17, s13  }
0x12: {  	s14 =	sadd.s32 s1, s18;
	s17 =	sadd.s32 s19, s17;
	s0 =	sadd.s32 s28, s0  }
0x13: {  	s2 =	sadd.s32 s28, s2;
	s19 =	ssub.s32 $0x1, s4;
	s17 =	sadd.s32 s20, s17  }
0x14: {  	s0 =	sadd.s32 s15, s0;
	s2 =	sadd.s32 s15, s2;
	s23 =	sadd.s32 $0x500, s17  }
0x15: {  	s22 =	sadd.s32 $0x28000, s0;
	s21 =	sadd.s32 $0x28000, s2;
	s0 =	sadd.s32 $0xA0000, s29  }
.LBB2_1:
0x16: {  	[tilespmem:s3], [sflag:$0x1] =	stream.linear.gather [hbm4b:s5+s3], $0x5000, $0x38;
	[tilespmem:$0x14400] =	vst v63  }
0x17: {  	s2 =	simm.s32 $0xA000  }
0x18: {  	[tilespmem:s2], [sflag:$0x1] =	stream.linear.gather [hbm4b:s6+s3], $0x5000, $0x38;
	[tilespmem:$0x14400] =	vst v63  }
0x19: {  	s17 =	simm.s32 $0x14000  }
0x1a: {  	[tilespmem:s17], [sflag:$0x1] =	stream.linear.gather [hbm4b:s7+s3], $0xA0, $0x38;
	[tilespmem:$0x14400] =	vst v63  }
0x1b: {  	s18 =	simm.s32 $0x14200  }
0x1c: {  	[tilespmem:s18], [sflag:$0x1] =	stream.linear.gather [hbm4b:s8+s3], $0xA0, $0x38;
	[tilespmem:$0x14400] =	vst v63  }
0x1d: {  	_ =	swait.ge [sflag:s24], $0x5000  }
0x1e: {  	[sflag:s24] =	ssyncset.done $0x0  }
0x1f: {  	[sflag:s24] =	ssyncadd.s32 $0xFFFFB000  }
0x20: {  	_ =	swait.ge [sflag:s24], $0x5000  }
0x21: {  	[sflag:s24] =	ssyncset.done $0x0  }
0x22: {  	[sflag:s24] =	ssyncadd.s32 $0xFFFFB000  }
0x23: {  	_ =	swait.ge [sflag:s24], $0xA0  }
0x24: {  	[sflag:s24] =	ssyncset.done $0x0  }
0x25: {  	[sflag:s24] =	ssyncadd.s32 $0xFFFFFF60  }
0x26: {  	_ =	swait.ge [sflag:s24], $0xA0  }
0x27: {  	[sflag:s24] =	ssyncset.done $0x0  }
0x28: {  	s20 =	simm.s32 $0x5000;
	[sflag:s24] =	ssyncadd.s32 $0xFFFFFF60  }
0x29: {  	[tilespmem:s20], [sflag:$0x1] =	stream.linear.gather [hbm4b:s10+s3], $0x5000, $0x38;
	[tilespmem:$0x14400] =	vst v63  }
0x2a: {  	s26 =	simm.s32 $0xF000  }
0x2b: {  	[tilespmem:s26], [sflag:$0x1] =	stream.linear.gather [hbm4b:s11+s3], $0x5000, $0x38;
	[tilespmem:$0x14400] =	vst v63  }
0x2c: {  	s28 =	simm.s32 $0x14100;
	s29 =	simm.s32 $0x14300  }
0x2d: {  	[tilespmem:s28], [sflag:$0x1] =	stream.linear.gather [hbm4b:s12+s3], $0xA0, $0x38;
	[tilespmem:$0x14400] =	vst v63  }
0x2e: {  	s16 =	smov.u32 s23;
	s15 =	smov.u32 s25;
	s2 =	simm.s32 $0x2  }
0x2f: {  	[tilespmem:s29], [sflag:$0x1] =	stream.linear.gather [hbm4b:s13+s3], $0xA0, $0x38;
	[tilespmem:$0x14400] =	vst v63  }
0x30: {  	s17 =	smov.u32 s22;
	s18 =	smov.u32 s21;
	s20 =	smov.u32 s0  }
0x31: {  	[hbm4b:s14+s3] =	stream.linear.scatter [tilespmem:s3], [sflag:$0x2], $0x5000, $0x38;
	[tilespmem:$0x14400] =	vst v63  }
.LBB2_2:
0x32: {  	_ =	swait.ge [sflag:s24], $0x5000  }
0x33: {  	[sflag:s24] =	ssyncset.done $0x0  }
0x34: {  	[sflag:s24] =	ssyncadd.s32 $0xFFFFB000  }
0x35: {  	_ =	swait.ge [sflag:s24], $0x5000  }
0x36: {  	[sflag:s24] =	ssyncset.done $0x0  }
0x37: {  	[sflag:s24] =	ssyncadd.s32 $0xFFFFB000  }
0x38: {  	_ =	swait.ge [sflag:s24], $0xA0  }
0x39: {  	[sflag:s24] =	ssyncset.done $0x0  }
0x3a: {  	[sflag:s24] =	ssyncadd.s32 $0xFFFFFF60  }
0x3b: {  	_ =	swait.ge [sflag:s24], $0xA0  }
0x3c: {  	p0 =	sge.u32 s2, s4;
	[sflag:s24] =	ssyncset.done $0x0  }
0x3d: {  	s26 =	sand.u32 @!p0 $0x1, s2;
	[sflag:s24] =	ssyncadd.s32 $0xFFFFFF60  }
0x3e: {  	p1 =	seq.s32 @!p0 s26, $0x1;
	_ =	swait.ge [sflag:s30], $0x5000  }
0x3f: {  	s26 =	simm.s32 @!p0 $0x5000;
	p1 =	por !p1, p0;
	[sflag:s30] =	ssyncset.done $0x0  }
0x40: {  	s28 =	simm.s32 @!p0 $0x0;
	s26 =	simm.s32 @p1 $0x0;
	[sflag:s30] =	ssyncadd.s32 $0xFFFFB000  }
0x41: {  	[tilespmem:s26], [sflag:$0x1] =	stream.linear.gather @!p0 [hbm4b:s17+s28], $0x5000, $0x38;
	[tilespmem:$0x14400] =	vst v63  }
0x42: {  	s26 =	sor.u32 @!p0 $0xA000, s26  }
0x43: {  	[tilespmem:s26], [sflag:$0x1] =	stream.linear.gather @!p0 [hbm4b:s18+s28], $0x5000, $0x38;
	[tilespmem:$0x14400] =	vst v63  }
0x44: {  	s26 =	simm.s32 @!p0 $0x14100  }
0x45: {  	s29 =	simm.s32 @!p0 $0x14300;
	s26 =	simm.s32 @p1 $0x14000  }
0x46: {  	[tilespmem:s26], [sflag:$0x1] =	stream.linear.gather @!p0 [hbm4b:s15+s28], $0xA0, $0x38;
	[tilespmem:$0x14400] =	vst v63  }
0x47: {  	s29 =	simm.s32 @p1 $0x14200;
	s26 =	sand.u32 $0x1, s2  }
0x48: {  	[tilespmem:s29], [sflag:$0x1] =	stream.linear.gather @!p0 [hbm4b:s16+s28], $0xA0, $0x38;
	[tilespmem:$0x14400] =	vst v63  }
0x49: {  	s2 =	sadd.s32 $0x1, s2;
	p0 =	seq.s32 s26, $0x1;
	s29 =	sshrl.u32 s20, $0x3  }
0x4a: {  	s26 =	simm.s32 $0x0;
	s28 =	sadd.s32 s1, s29;
	s29 =	sadd.s32 s2, s19  }
0x4b: {  	s26 =	simm.s32 @!p0 $0x5000;
	p0 =	sne.s32 s29, $0x2  }
.Ltmp0:
0x4c: {  	_ = 	snop;
	(pc) =	sbr.rel @p0 .LBB2_2-.Ltmp0, $4  }
0x4d: {  	_ = 	snop  }
0x4e: {  	s17 =	sadd.s32 $0x14000, s17;
	s18 =	sadd.s32 $0x14000, s18  }
0x4f: {  	s15 =	sadd.s32 $0x280, s15;
	s16 =	sadd.s32 $0x280, s16;
	s20 =	sadd.s32 $0xA0000, s20  }
0x50: {  	[hbm4b:s28+s3] =	stream.linear.scatter [tilespmem:s26], [sflag:$0x2], $0x5000, $0x38;
	[tilespmem:$0x14400] =	vst v63  }
0x51: {  	s31 =	sadd.s32 $0x1, s31  }
0x52: {  	p0 =	sne.s32 s31, s9  }
.Ltmp1:
0x53: {  	_ = 	snop;
	(pc) =	sbr.rel @p0 .LBB2_1-.Ltmp1, $4  }
0x54: {  	_ = 	snop  }
0x55: {  	_ =	swait.ge [sflag:s30], $0x5000  }
0x56: {  	[sflag:s30] =	ssyncset.done $0x0  }
0x57: {  	[sflag:s30] =	ssyncadd.s32 $0xFFFFB000  }
0x58: {  	_ =	sfence.sel $0x180000  }
0x59: {  	[bflag:$0x0] =	sbarrier.arrive $0xFFFF  }
0x5a: {  	_ =	strace $0x90000047  }
0x5b: {  	s0 =	stileid.u32;
	[bflag:$0x2] =	sbarrier.arrive $0xFFFF  }
0x5c: {  	p0 =	sne.s32 s0, $0x0;
	s0 =	rddreg [dreg:$0x4]  }
0x5d: {  	s0 =	sadd.s32 @!p0 $0x100000, s0  }
0x5e: {  	[sflag:s0] =	ssyncadd.tile.s32 @!p0 $0x1;
	_ =	shalt  }
.Lfunc_end2:
_tile_overlayer_lowered:
.L_overlay_start_2:
0x5f: {  	(tag) =	ssettag $0x2  }
0x60: {  	s0 =	rddreg [dreg:$0x0];
	s2 =	stileid.u32  }
0x61: {  	s1 =	rddreg [dreg:$0x1];
	p0 =	sne.s32 s2, $0x0  }
0x62: {  	s3 =	rddreg [dreg:$0x2];
	[bflag:$0x3] =	sbarrier.arrive $0xFFFF;
	s2 =	simm.s32 @!p0 $0x1C03  }
0x63: {  	[timem:s3], [sflag:s2] =	dma.local @!p0 [hbm:s0], s1  }
0x64: {  	s0 =	simm.s32 @!p0 $0x3  }
0x65: {  	_ =	swait.ge @!p0 [sflag:s0], s1  }
0x66: {  	s1 =	ssub.s32 @!p0 $0x0, s1;
	[sflag:s0] =	ssyncset.done @!p0 $0x0  }
0x67: {  	[sflag:s0] =	ssyncadd.s32 @!p0 s1  }
0x68: {  	[bflag:$0x3] =	sbarrier.arrive $0xFFFF  }
0x69: {  	_ =	shalt  }

</sc_bundles>
